<compile_context>
chip_gen: v7x
topology: tpu7x:2x2x1
jax: 0.10.2.dev20260603
libtpu: 0.0.44.dev20260713+nightly
codegen_flags: <defaults>
</compile_context>

<pallas_src>
import jax
import jax.numpy as jnp
from jax import lax
from jax.experimental import pallas as pl
from jax.experimental.pallas import tpu as pltpu
from jax.experimental.pallas import tpu_sc as plsc


_HW = 224 * 224
_FB = _HW // 8
_NSUB = 16
_B = 4
_C_IN = 96
_C_OUT = 128

_NJ = 8
_CH = _C_IN * _HW // _NJ
_NC = _B * _NJ
_NBUF = 8
_D = 3


def _sc_fill_body(w_hbm, idx_hbm, out_hbm, idx_v, w_v, fbuf, fillsem):
    wid = lax.axis_index("c") * _NSUB + lax.axis_index("s")

    pltpu.sync_copy(idx_hbm, idx_v)
    pltpu.sync_copy(w_hbm, w_v)
    fvec = plsc.load_gather(w_v, [idx_v[...],
                                  jnp.full((16,), wid, jnp.int32)])

    def _fill_store(i, carry):
        fbuf[pl.ds(i * 16, 16)] = fvec
        return carry

    lax.fori_loop(0, 392, _fill_store, 0)

    row_off = (_C_IN) * _HW + wid * _HW
    pltpu.async_copy(fbuf.at[pl.ds(0, _FB)],
                     out_hbm.at[pl.ds(row_off, _FB)], fillsem).wait()


def _tc_copy_body(x_ref, o_ref, out_ref, bufs, in_sems, out_sems):
    del o_ref

    def in_copy(i):
        b, j = divmod(i, _NJ)
        slot = i % _NBUF
        return pltpu.make_async_copy(
            x_ref.at[pl.ds(b * _C_IN * _HW + j * _CH, _CH)], bufs.at[slot],
            in_sems.at[slot])

    def out_copy(i):
        b, j = divmod(i, _NJ)
        slot = i % _NBUF
        return pltpu.make_async_copy(
            bufs.at[slot],
            out_ref.at[pl.ds(b * _C_OUT * _HW + j * _CH, _CH)],
            out_sems.at[slot])

    for i in range(_D):
        in_copy(i).start()
    for i in range(_D, _NC + _D):
        if i < _NC:
            if i >= _NBUF:
                out_copy(i - _NBUF).wait()
            in_copy(i).start()
        j = i - _D
        in_copy(j).wait()
        out_copy(j).start()
    for i in range(_NC - _NBUF, _NC):
        out_copy(i).wait()


def kernel(x, W, view_idx):
    B, C, H, Wd = x.shape
    hw = H * Wd
    n_out = B * _C_OUT * hw
    x_flat = x.reshape(B * C * hw)
    idx16 = jnp.full((16,), view_idx, jnp.int32)

    mesh = plsc.VectorSubcoreMesh(core_axis_name="c", subcore_axis_name="s")
    out_sc = pl.kernel(
        _sc_fill_body,
        out_type=jax.ShapeDtypeStruct((n_out,), x.dtype),
        mesh=mesh,
        compiler_params=pltpu.CompilerParams(needs_layout_passes=False),
        scratch_types=[
            pltpu.VMEM((16,), jnp.int32),
            pltpu.VMEM((100, 32), jnp.float32),
            pltpu.VMEM((_HW,), jnp.float32),
            pltpu.SemaphoreType.DMA,
        ],
    )(W, idx16)

    return out_sc.reshape(B, _C_OUT, H, Wd)
    out_flat = pl.pallas_call(
        _tc_copy_body,
        in_specs=[
            pl.BlockSpec(memory_space=pl.ANY),
            pl.BlockSpec(memory_space=pl.ANY),
        ],
        out_specs=pl.BlockSpec(memory_space=pl.ANY),
        out_shape=jax.ShapeDtypeStruct((n_out,), x.dtype),
        input_output_aliases={1: 0},
        scratch_shapes=[
            pltpu.VMEM((_NBUF, _CH), jnp.float32),
            pltpu.SemaphoreType.DMA((_NBUF,)),
            pltpu.SemaphoreType.DMA((_NBUF,)),
        ],
    )(x_flat, out_sc)
    return out_flat.reshape(B, _C_OUT, H, Wd)

# --- scband reference (transcript-rebuilt; emitter-appended) ---
"""Pipeline reference for scband-lang-id-embedder-2482491097220 (READ-ONLY COPY).

The authoritative reference and input builder live on the scoring server;
editing this copy changes nothing except your own understanding.
"""

import jax, jax.numpy as jnp
import numpy as np


def setup_inputs(seed: int = 0) -> dict:
    key = jax.random.key(seed)
    k1, k2 = jax.random.split(key)
    x = jax.random.normal(k1, (4, 96, 224, 224), dtype=jnp.float32)
    W = jax.random.normal(k2, (100, 32), dtype=jnp.float32)
    view_idx = 7
    return {"x": x, "W": W, "view_idx": view_idx}


def reference(x, W, view_idx):
    # concat_dim = 1 (default), first_layer = False (default)
    B, C, H, Wd = x.shape
    # repeat_dims = shape with concat_dim (1) removed -> (B, H, Wd)
    idxs = jnp.full((B, H, Wd), view_idx, dtype=jnp.int32)
    embeds = jnp.take(W, idxs, axis=0)          # [B, H, Wd, E]
    # concat_dim < 3 -> transpose(2, 3)
    embeds = jnp.swapaxes(embeds, 2, 3)          # [B, H, E, Wd]
    # concat_dim < 2 -> transpose(1, 2)
    embeds = jnp.swapaxes(embeds, 1, 2)          # [B, E, H, Wd]
    out = jnp.concatenate((x, embeds), axis=1)   # [B, C+E, H, Wd]
    return out

if __name__ == "__main__":
    import jax
    _d = setup_inputs()
    print(jax.jit(kernel)(*tuple(_d.values())))

</pallas_src>

<mosaic_0001>
#map = affine_map<(d0, d1) -> (0, 0)>
#map1 = affine_map<(d0, d1) -> (0)>
module attributes {stable_mosaic.version = 14 : i64} {
  func.func @_sc_fill_body(%arg0: i32, %arg1: i32, %arg2: memref<100x32xf32, #tpu.memory_space<hbm>>, %arg3: memref<16xi32, #tpu.memory_space<hbm>>, %arg4: memref<25690112xf32, #tpu.memory_space<hbm>>, %arg5: memref<16xi32, #tpu.memory_space<vmem>>, %arg6: memref<100x32xf32, #tpu.memory_space<vmem>>, %arg7: memref<50176xf32, #tpu.memory_space<vmem>>, %arg8: memref<!tpu.dma_semaphore, #tpu.memory_space<semaphore_mem>>) attributes {dimension_semantics = [#tpu.dimension_semantics<core_parallel>, #tpu.dimension_semantics<subcore_parallel>], iteration_bounds = array<i64: 2, 16>, scalar_prefetch = 0 : i64, scratch_operands = 4 : i64, tpu.core_type = #tpu.core_type<sc_vector_subcore>, window_params = [{transform_indices = #map}, {transform_indices = #map1}, {transform_indices = #map1}]} {
    %mul3A = arith.constant 16 : i32
    %mul3A_0 = arith.muli %arg0, %mul3A : i32
    %add3A = arith.addi %mul3A_0, %arg1 : i32
    "tpu.region"() ({
      %run_scoped3A = tpu.sem_alloc : memref<!tpu.dma_semaphore, #tpu.memory_space<semaphore_mem>>
      tpu.enqueue_dma source(%arg3 : memref<16xi32, #tpu.memory_space<hbm>>) target(%arg5 : memref<16xi32, #tpu.memory_space<vmem>>) target_semaphore(%run_scoped3A : memref<!tpu.dma_semaphore, #tpu.memory_space<semaphore_mem>>)
      tpu.wait_dma2 semaphore(%run_scoped3A : memref<!tpu.dma_semaphore, #tpu.memory_space<semaphore_mem>>) src(%arg3 : memref<16xi32, #tpu.memory_space<hbm>>) dst(%arg5 : memref<16xi32, #tpu.memory_space<vmem>>)
      tpu.yield
    }) : () -> ()
    "tpu.region"() ({
      %run_scoped3A = tpu.sem_alloc : memref<!tpu.dma_semaphore, #tpu.memory_space<semaphore_mem>>
      tpu.enqueue_dma source(%arg2 : memref<100x32xf32, #tpu.memory_space<hbm>>) target(%arg6 : memref<100x32xf32, #tpu.memory_space<vmem>>) target_semaphore(%run_scoped3A : memref<!tpu.dma_semaphore, #tpu.memory_space<semaphore_mem>>)
      tpu.wait_dma2 semaphore(%run_scoped3A : memref<!tpu.dma_semaphore, #tpu.memory_space<semaphore_mem>>) src(%arg2 : memref<100x32xf32, #tpu.memory_space<hbm>>) dst(%arg6 : memref<100x32xf32, #tpu.memory_space<vmem>>)
      tpu.yield
    }) : () -> ()
    %get3A = arith.constant 0 : index
    %get3A_1 = tpu.vector_load %arg5[%get3A] {strides = array<i32>} : memref<16xi32, #tpu.memory_space<vmem>>, vector<16xi32>,
    %broadcast_in_dim3A = vector.broadcast %add3A : i32 to vector<16xi32>
    %gather3A = tpu.vector_load_idx %arg6[%get3A_1, %broadcast_in_dim3A] : memref<100x32xf32, #tpu.memory_space<vmem>>[vector<16xi32>, vector<16xi32>], vector<16xf32>,
    %scan3A = arith.constant 0 : i32
    %scan3A_2 = arith.constant 0 : i32
    %scan3A_3 = arith.constant 392 : i32
    %scan3A_4 = arith.addi %scan3A_2, %scan3A_3 : i32
    %scan3A_5 = arith.constant 1 : i32
    scf.for %scan3A_21 = %scan3A_2 to %scan3A_4 step %scan3A_5  : i32 {
      %mul3A_22 = arith.constant 16 : i32
      %mul3A_23 = arith.muli %scan3A_21, %mul3A_22 : i32
      %swap3A = arith.index_cast %mul3A_23 : i32 to index
      %swap3A_24 = tpu.vector_load %arg7[%swap3A] {strides = array<i32>} : memref<50176xf32, #tpu.memory_space<vmem>>, vector<16xf32>,
      tpu.vector_store %arg7[%swap3A], %gather3A {strides = array<i32>} : memref<50176xf32, #tpu.memory_space<vmem>>, vector<16xf32>,
    }
    %scan3A_6 = arith.constant 392 : i32
    %mul3A_7 = arith.constant 50176 : i32
    %mul3A_8 = arith.muli %add3A, %mul3A_7 : i32
    %add3A_9 = arith.constant 4816896 : i32
    %add3A_10 = arith.addi %add3A_9, %mul3A_8 : i32
    %dma_start3A = arith.constant 0 : i32
    %dma_start3A_11 = tpu.memref_slice %arg7[%dma_start3A] : memref<50176xf32, #tpu.memory_space<vmem>> -> memref<6272xf32, #tpu.memory_space<vmem>>
    %dma_start3A_12 = tpu.memref_slice %arg4[%add3A_10] : memref<25690112xf32, #tpu.memory_space<hbm>> -> memref<6272xf32, #tpu.memory_space<hbm>>
    %dma_start3A_13 = tpu.memref_slice %arg4[%add3A_10] : memref<25690112xf32, #tpu.memory_space<hbm>> -> memref<6272xf32, #tpu.memory_space<hbm>>
    %dma_start3A_14 = arith.constant 0 : i32
    %dma_start3A_15 = tpu.memref_slice %arg7[%dma_start3A_14] : memref<50176xf32, #tpu.memory_space<vmem>> -> memref<6272xf32, #tpu.memory_space<vmem>>
    tpu.enqueue_dma source(%dma_start3A_15 : memref<6272xf32, #tpu.memory_space<vmem>>) target(%dma_start3A_13 : memref<6272xf32, #tpu.memory_space<hbm>>) target_semaphore(%arg8 : memref<!tpu.dma_semaphore, #tpu.memory_space<semaphore_mem>>)
    %dma_wait3A = arith.constant 0 : i32
    %dma_wait3A_16 = tpu.memref_slice %arg7[%dma_wait3A] : memref<50176xf32, #tpu.memory_space<vmem>> -> memref<6272xf32, #tpu.memory_space<vmem>>
    %dma_wait3A_17 = tpu.memref_slice %arg4[%add3A_10] : memref<25690112xf32, #tpu.memory_space<hbm>> -> memref<6272xf32, #tpu.memory_space<hbm>>
    %dma_wait3A_18 = tpu.memref_slice %arg4[%add3A_10] : memref<25690112xf32, #tpu.memory_space<hbm>> -> memref<6272xf32, #tpu.memory_space<hbm>>
    %dma_wait3A_19 = arith.constant 0 : i32
    %dma_wait3A_20 = tpu.memref_slice %arg7[%dma_wait3A_19] : memref<50176xf32, #tpu.memory_space<vmem>> -> memref<6272xf32, #tpu.memory_space<vmem>>
    tpu.wait_dma2 semaphore(%arg8 : memref<!tpu.dma_semaphore, #tpu.memory_space<semaphore_mem>>) src(%dma_wait3A_20 : memref<6272xf32, #tpu.memory_space<vmem>>) dst(%dma_wait3A_18 : memref<6272xf32, #tpu.memory_space<hbm>>)
    return
  }
}

</mosaic_0001>

<sc_bundles>
// kernel: kernel.3.cloned.1.call-start
scs
__scs_entry_jumppad:
0x0: {  	(pc) =	sbr.rel $0x88, $3  }
0x1: {  	(tag) =	ssettag $0x0;
	lr =	simm.s32 $0x1  }
0x2: {  	[smem:$0x3F9F] =	sst lr;
	_ =	strace $0xD0000000  }
0x3: {  	_ = 	snop  }
0x4: {  	_ = 	snop  }
0x5: {  	_ = 	snop  }
0x6: {  	_ = 	snop  }
0x7: {  	_ = 	snop  }
__scs_overlays_trampoline_lowered:
0x8: {  	[smem:$0x3FAE] =	sst s0  }
0x9: {  	[smem:$0x3FAF] =	sst s1  }
0xa: {  	[smem:$0x3FB0] =	sst s2  }
0xb: {  	[smem:$0x3FB1] =	sst s3  }
0xc: {  	[smem:$0x3FB2] =	sst s4  }
0xd: {  	[smem:$0x3FB3] =	sst s5  }
0xe: {  	[smem:$0x3FB4] =	sst s6  }
0xf: {  	[smem:$0x3FB5] =	sst s7  }
0x10: {  	[smem:$0x3FB6] =	sst s8  }
0x11: {  	[smem:$0x3FB7] =	sst s9;
	s0 =	simm.s32 @!p0 $0x0  }
0x12: {  	s1 =	sld [smem:$0x3F9D];
	s0 =	simm.s32 @p0 $0x1  }
0x13: {  	[smem:$0x3FB8] =	sst s0;
	s0 =	simm.s32 @!p1 $0x0  }
0x14: {  	s2 =	sld [smem:$0x3F9C];
	s0 =	simm.s32 @p1 $0x1  }
0x15: {  	[smem:$0x3FB9] =	sst s0;
	s0 =	simm.s32 @!p2 $0x0  }
0x16: {  	s3 =	sld [smem:$0x3FDB];
	s0 =	simm.s32 @p2 $0x1  }
0x17: {  	s4 =	simm.s32 $0x1BF5;
	[smem:$0x3FBB] =	sst s0  }
0x18: {  	s0 =	sld [smem:$0x3F9E];
	_ =	swait.ge [sflag:s4], $0x0  }
0x19: {  	s7 =	sld [smem:$0x3F9F]  }
0x1a: {  	s8 =	sadd.s32 $0xFFFFE003, lr  }
0x1b: {  	s9 =	sadd.s32 $0xFFFFFEF7, lr;
	s5 =	simm.s32 $0xFFFFFFFF;
	p2 =	slt.u32 s8, $0xFFFFF086  }
0x1c: {  	p1 =	slt.u32 s9, $0xF7A;
	s5 =	simm.s32 @!p2 $0x0  }
0x1d: {  	s5 =	simm.s32 @p1 $0x1;
	p0 =	seq.s32 s7, s2  }
0x1e: {  	s7 =	smul.u32 @!p0 $0xF7A, s2;
	p2 =	seq.s32 @!p0 s5, $0x0  }
0x1f: {  	s9 =	smul.u32 $0xF7A, s1;
	s8 =	simm.s32 @!p0 $0x1BF5;
	p2 =	por !p2, p0  }
0x20: {  	[sflag:s8] =	ssyncset.s32 @!p0 $0xFFFFF086;
	s6 =	sadd.s32 @!p0 s3, s7;
	s7 =	simm.s32 @!p0 $0x108  }
0x21: {  	s3 =	sadd.s32 s3, s9;
	s6 =	sadd.s32 @!p0 $0x88, s6;
	s7 =	simm.s32 @p2 $0x1082  }
0x22: {  	[simem:s7], [sflag:s8] =	dma.local @!p0 [hbm:s6], $0xF7A  }
0x23: {  	s9 =	sor.u32 $0xD0000000, s2;
	s6 =	simm.s32 $0x108;
	_ =	swait.ge @!p0 [sflag:s8], $0x0  }
0x24: {  	s3 =	sadd.s32 $0x88, s3;
	s6 =	simm.s32 @!p1 $0x1082;
	[sflag:s4] =	ssyncset.s32 $0xFFFFF086  }
0x25: {  	[simem:s6], [sflag:s4] =	dma.local [hbm:s3], $0xF7A  }
0x26: {  	[smem:$0x3F9F] =	sst s1;
	(tag) =	ssettag s2;
	_ =	strace s9  }
0x27: {  	s1 =	sld [smem:$0x3FAF]  }
0x28: {  	s2 =	sld [smem:$0x3FB0]  }
0x29: {  	s4 =	sld [smem:$0x3FB2]  }
0x2a: {  	p0 =	seq.s32 s5, $0x0;
	s5 =	sld [smem:$0x3FB3]  }
0x2b: {  	s6 =	sld [smem:$0x3FB4]  }
0x2c: {  	s7 =	sld [smem:$0x3FB5]  }
0x2d: {  	s3 =	simm.s32 $0x108;
	s8 =	sld [smem:$0x3FB6]  }
0x2e: {  	s3 =	simm.s32 @!p0 $0x1082;
	s9 =	sld [smem:$0x3FB7]  }
0x2f: {  	lr =	sadd.s32 s0, s3;
	s0 =	sld [smem:$0x3FAE]  }
0x30: {  	s3 =	sld [smem:$0x3FB1]  }
0x31: {  	[smem:$0x3FBA] =	sst s10  }
0x32: {  	s10 =	sld [smem:$0x3FB8];
	_ =	sdelay $0x3  }
0x33: {  	p0 =	seq.s32 s10, $0x1;
	s10 =	sld [smem:$0x3FBA];
	_ =	sdelay $0x3  }
0x34: {  	[smem:$0x3FBA] =	sst s10  }
0x35: {  	s10 =	sld [smem:$0x3FB9];
	_ =	sdelay $0x3  }
0x36: {  	p1 =	seq.s32 s10, $0x1;
	s10 =	sld [smem:$0x3FBA];
	_ =	sdelay $0x3  }
0x37: {  	[smem:$0x3FBA] =	sst s10  }
0x38: {  	s10 =	sld [smem:$0x3FBB]  }
0x39: {  	_ = 	snop;
	(pc) =	sbr.ind lr, $3  }
0x3a: {  	_ = 	snop  }
0x3b: {  	_ = 	snop  }
0x3c: {  	p2 =	seq.s32 s10, $0x1;
	s10 =	sld [smem:$0x3FBA]  }
0x3d: {  	_ =	shalt  }
0x3e: {  	_ =	shalt  }
0x3f: {  	_ =	shalt  }
0x40: {  	_ =	shalt  }
0x41: {  	_ =	shalt  }
0x42: {  	_ =	shalt  }
0x43: {  	_ =	shalt  }
0x44: {  	_ =	shalt  }
0x45: {  	_ =	shalt  }
0x46: {  	_ =	shalt  }
0x47: {  	_ =	shalt  }
0x48: {  	_ =	shalt  }
0x49: {  	_ =	shalt  }
0x4a: {  	_ =	shalt  }
0x4b: {  	_ =	shalt  }
0x4c: {  	_ =	shalt  }
0x4d: {  	_ =	shalt  }
0x4e: {  	_ =	shalt  }
0x4f: {  	_ =	shalt  }
0x50: {  	_ =	shalt  }
0x51: {  	_ =	shalt  }
0x52: {  	_ =	shalt  }
0x53: {  	_ =	shalt  }
0x54: {  	_ =	shalt  }
0x55: {  	_ =	shalt  }
0x56: {  	_ =	shalt  }
0x57: {  	_ =	shalt  }
0x58: {  	_ =	shalt  }
0x59: {  	_ =	shalt  }
0x5a: {  	_ =	shalt  }
0x5b: {  	_ =	shalt  }
0x5c: {  	_ =	shalt  }
0x5d: {  	_ =	shalt  }
0x5e: {  	_ =	shalt  }
0x5f: {  	_ =	shalt  }
0x60: {  	_ =	shalt  }
0x61: {  	_ =	shalt  }
0x62: {  	_ =	shalt  }
0x63: {  	_ =	shalt  }
0x64: {  	_ =	shalt  }
0x65: {  	_ =	shalt  }
0x66: {  	_ =	shalt  }
0x67: {  	_ =	shalt  }
0x68: {  	_ =	shalt  }
0x69: {  	_ =	shalt  }
0x6a: {  	_ =	shalt  }
0x6b: {  	_ =	shalt  }
0x6c: {  	_ =	shalt  }
0x6d: {  	_ =	shalt  }
0x6e: {  	_ =	shalt  }
0x6f: {  	_ =	shalt  }
0x70: {  	_ =	shalt  }
0x71: {  	_ =	shalt  }
0x72: {  	_ =	shalt  }
0x73: {  	_ =	shalt  }
0x74: {  	_ =	shalt  }
0x75: {  	_ =	shalt  }
0x76: {  	_ =	shalt  }
0x77: {  	_ =	shalt  }
0x78: {  	_ =	shalt  }
0x79: {  	_ =	shalt  }
0x7a: {  	_ =	shalt  }
0x7b: {  	_ =	shalt  }
0x7c: {  	_ =	shalt  }
0x7d: {  	_ =	shalt  }
0x7e: {  	_ =	shalt  }
0x7f: {  	_ =	shalt  }
0x80: {  	_ =	shalt  }
0x81: {  	_ =	shalt  }
0x82: {  	_ =	shalt  }
0x83: {  	_ =	shalt  }
0x84: {  	_ =	shalt  }
0x85: {  	_ =	shalt  }
0x86: {  	_ =	shalt  }
0x87: {  	_ =	shalt  }
.Lfunc_end0:
.L_simem_size_0:
called_computation.1_lowered:
.L_overlay_start_0:
0x88: {  	s2 =	sld [smem:$0x3FD9]  }
0x89: {  	s3 =	sld [smem:$0x3FFE];
	_ =	sdelay $0x1  }
0x8a: {  	s1 =	srdreg.scid  }
0x8b: {  	s0 =	sand.u32 $0x1, s1  }
0x8c: {  	s17 =	sshll.u32 s0, $0xA;
	s2 =	sadd.s32 s3, s2  }
0x8d: {  	s2 =	sadd.s32 s2, s17  }
0x8e: {  	[smem:$0x3FC6] =	sst s2  }
0x8f: {  	_ = 	snop  }
0x90: {  	s2 =	sld [smem:$0x3FD0];
	(tm) =	ssettm $0x1  }
0x91: {  	s18 =	sld [smem:$0x3FFB];
	_ =	sdelay $0x3  }
0x92: {  	_ =	strace s18  }
0x93: {  	s3 =	sld [smem:$0x3FFC];
	_ =	sdelay $0x3  }
0x94: {  	_ =	strace s3  }
0x95: {  	s3 =	sld [smem:$0x3FFD];
	_ =	sdelay $0x3  }
0x96: {  	_ =	strace s3  }
0x97: {  	_ =	strace $0x8FFFFFFF  }
0x98: {  	s19 =	sld [smem:$0x3FDB];
	_ =	sdelay $0x1  }
0x99: {  	s4 =	simm.s32 $_scs_section_size  }
0x9a: {  	s5 =	simm.s32 $_size__tile_overlayer_lowered;
	s6 =	simm.s32 $_tile_overlayer_lowered  }
0x9b: {  	s22 =	simm.s32 $0x1BFF;
	s21 =	sshll.u32 s6, $0x1;
	s3 =	sadd.s32 s4, s19  }
0x9c: {  	s7 =	simm.s32 $0x0;
	s20 =	sshll.u32 s5, $0x1;
	s5 =	sadd.s32 s21, s3  }
0x9d: {  	[timem:s7], [sflag:s22] =	dma.local [hbm:s5], s20  }
0x9e: {  	_ =	swait.ge [sflag:s22], s20  }
0x9f: {  	s4 =	ssub.s32 $0x0, s20;
	[sflag:s22] =	ssyncset.done $0x0  }
0xa0: {  	[sflag:s22] =	ssyncadd.s32 s4;
	_ =	sdelay $0x1  }
0xa1: {  	s23 =	simm.s32 $0x1B8B  }
0xa2: {  	_ =	swait.ge [sflag:s23], $0x1  }
0xa3: {  	[sflag:s23] =	ssyncset.done $0x0  }
0xa4: {  	s25 =	simm.s32 $0x1B8E;
	s24 =	sld [smem:$0x3FFE];
	[sflag:s23] =	ssyncadd.s32 $0xFFFFFFFF  }
0xa5: {  	s26 =	simm.s32 $execute0_lowered;
	[smem:$0x3FD2] =	sst s25  }
0xa6: {  	s5 =	sshll.u32 s26, $0x1;
	_ =	strace $0x80000046;
	[dreg:$0x1] =	wrdreg $0xFFFFFFFF  }
0xa7: {  	s28 =	simm.s32 $_size_execute0_lowered;
	s3 =	sadd.s32 s3, s5;
	[dreg:$0x0] =	wrdreg $0x0  }
0xa8: {  	s5 =	sshll.u32 s28, $0x1;
	[dreg:$0x2] =	wrdreg s3  }
0xa9: {  	[dreg:$0x3] =	wrdreg s5  }
0xaa: {  	[dreg:$0x4] =	wrdreg $0xC0  }
0xab: {  	_ =	task [dreg:s7], $0x5FFFF  }
0xac: {  	[dreg:$0x1] =	wrdreg $0xFFFFFFFF  }
0xad: {  	[dreg:$0x0] =	wrdreg $0x60  }
0xae: {  	[dreg:$0x2] =	wrdreg s24  }
0xaf: {  	[dreg:$0x3] =	wrdreg s2  }
0xb0: {  	[dreg:$0x4] =	wrdreg $0x9  }
0xb1: {  	_ =	task.clear_ibuf [dreg:s7], $0x5FFFF;
	_ =	strace $0x90000046  }
0xb2: {  	s29 =	simm.s32 $0x9;
	_ =	strace $0x80000048  }
0xb3: {  	_ =	swait.ge [sflag:s29], $0x1  }
0xb4: {  	[sflag:s29] =	ssyncadd.s32 $0xFFFFFFFF  }
0xb5: {  	_ =	strace $0x90000048  }
0xb6: {  	_ =	sfence  }
0xb7: {  	s30 =	sld [smem:$0x0];
	_ =	sdelay $0x2  }
0xb8: {  	s31 =	sshll.u32 s1, $0xD;
	s1 =	sshrl.u32 s1, $0x2  }
0xb9: {  	s3 =	sand.u32 $0x4000, s31;
	s1 =	sadd.s32 s1, s30  }
0xba: {  	s0 =	sor.u32 s3, s0;
	s1 =	sshll.u32 s1, $0x11  }
0xbb: {  	s0 =	sor.u32 s1, s0  }
0xbc: {  	s0 =	sadd.s32 $0x8F2B, s0  }
0xbd: {  	[sflag:s0] =	ssyncadd.remote.s32 $0x1  }
0xbe: {  	_ =	sfence.sel $0xFFFF  }
0xbf: {  	[dreg:$0x0] =	wrdreg $0xFFFFFFFF;
	(pc) =	sbr.abs _section_cstart, $3  }
0xc0: {  	[dreg:$0x1] =	wrdreg $0xFFFFFFFF  }
0xc1: {  	_ =	task.clear_ibuf [dreg:s7], $0x2FFFF;
	_ =	strace $0x9FFFFFFF  }
0xc2: {  	(tm) =	ssettm $0x7FFFFFFF  }
0xc3: {  	_ =	shalt  }
tec
execute0_lowered:
.L_overlay_start_1:
0x0: {  	(tag) =	ssettag $0x1  }
0x1: {  	s0 =	srdreg.scid;
	s4 =	rddreg [dreg:$0x0]  }
0x2: {  	s5 =	rddreg [dreg:$0x1];
	s2 =	simm.s32 $0x0;
	s3 =	sand.u32 $0x1, s0  }
0x3: {  	s10 =	simm.s32 $0x1;
	s0 =	stileid.u32;
	s1 =	sshll.u32 s3, $0x4  }
0x4: {  	s11 =	simm.s32 $0x0;
	[smem:$0x7FF] =	sst s2;
	s6 =	sor.u32 s0, s1  }
0x5: {  	s8 =	ssub.s32 $0x2, s3;
	s3 =	sadd.s32 $0x800, s4;
	s7 =	smul.u32 $0xC400, s6  }
0x6: {  	s4 =	sadd.s32 $0x1000, s4;
	s1 =	rddreg [dreg:$0x2];
	s9 =	sshrl.u32 s8, $0x1  }
0x7: {  	_ =	strace $0x80000047;
	s31 =	ssub.s32 s8, s9;
	s7 =	sshrl.u32 s7, $0x3  }
0x8: {  	v0 =	vmov s6;
	s8 =	simm.s32 $0x80;
	s9 =	simm.s32 $0x3480;
	s5 =	sadd.s32 s5, s7  }
0x9: {  	s6 =	smax.u32 s31, $0x1;
	v0 =	vbroadcast v0, $0x0;
	s7 =	simm.s32 $0x2;
	s5 =	sadd.s32 $0x93000, s5  }
.LBB2_1:
0xa: {  	[tilespmem:s2], [sflag:$0x2] =	stream.linear.gather [hbm4b:s4+s2], $0x80, $0x38;
	[tilespmem:$0xF880] =	vst v63  }
0xb: {  	_ =	swait.ge [sflag:s7], $0x80  }
0xc: {  	[sflag:s7] =	ssyncset.done $0x0  }
0xd: {  	[sflag:s7] =	ssyncadd.s32 $0xFFFFFF80  }
0xe: {  	[tilespmem:s8], [sflag:$0x2] =	stream.linear.gather [hbm4b:s3+s2], $0x3200, $0x38;
	[tilespmem:$0xF880] =	vst v63  }
0xf: {  	_ =	swait.ge [sflag:s7], $0x3200  }
0x10: {  	[sflag:s7] =	ssyncset.done $0x0  }
0x11: {  	[sflag:s7] =	ssyncadd.s32 $0xFFFFCE00  }
0x12: {  	v1 =	vld [tilespmem:$0x0];
	_ =	sdelay $0x4  }
0x13: {  	v1 =	vshll.u32 v1, $0x7  }
0x14: {  	v1 =	vor.u32 v0, v1;
	_ =	sdelay $0x4  }
0x15: {  	v1 =	vld.idx.msk [tilespmem:v1+s8+$0x0], $0xffff;
	_ =	sdelay $0x3  }
0x16: {  	s12 =	simm.s32 $0x40;
	s13 =	simm.s32 $0x0  }
.LBB2_2:
0x17: {  	p0 =	sne.s32 s12, $0x61C0;
	[tilespmem:s13+$0x3480] =	vst v1;
	s13 =	smov.u32 s12;
	s12 =	sadd.s32 $0x40, s12  }
.Ltmp0:
0x18: {  	(pc) =	sbr.rel @p0 .LBB2_2-.Ltmp0, $2  }
0x19: {  	_ =	sdelay $0x2  }
0x1a: {  	s13 =	sshra.s32 s13, $0x2  }
0x1b: {  	s11 =	sadd.s32 $0x1, s11  }
0x1c: {  	p0 =	sne.s32 s11, s6  }
.Ltmp1:
0x1d: {  	[tilespmem:s13+$0x3480] =	vst v1;
	(pc) =	sbr.rel @p0 .LBB2_1-.Ltmp1, $4  }
0x1e: {  	[hbm4b:s5+s2] =	stream.linear.scatter [tilespmem:s9], [sflag:$0x1], $0x1880, $0x38;
	[tilespmem:$0xF880] =	vst v63  }
0x1f: {  	_ =	swait.ge [sflag:s10], $0x1880  }
0x20: {  	[sflag:s10] =	ssyncset.done $0x0  }
0x21: {  	[sflag:s10] =	ssyncadd.s32 $0xFFFFE780  }
0x22: {  	_ =	sfence.sel $0x180000  }
0x23: {  	[bflag:$0x0] =	sbarrier.arrive $0xFFFF  }
0x24: {  	p0 =	sne.s32 s0, $0x0;
	_ =	strace $0x90000047  }
0x25: {  	s0 =	sadd.s32 @!p0 $0x100000, s1;
	[bflag:$0x2] =	sbarrier.arrive $0xFFFF  }
0x26: {  	[sflag:s0] =	ssyncadd.tile.s32 @!p0 $0x1;
	_ =	shalt  }
.Lfunc_end2:
_tile_overlayer_lowered:
.L_overlay_start_2:
0x27: {  	(tag) =	ssettag $0x2  }
0x28: {  	s0 =	rddreg [dreg:$0x0];
	s2 =	stileid.u32  }
0x29: {  	s1 =	rddreg [dreg:$0x1];
	p0 =	sne.s32 s2, $0x0  }
0x2a: {  	s3 =	rddreg [dreg:$0x2];
	[bflag:$0x3] =	sbarrier.arrive $0xFFFF;
	s2 =	simm.s32 @!p0 $0x1C02  }
0x2b: {  	[timem:s3], [sflag:s2] =	dma.local @!p0 [hbm:s0], s1  }
0x2c: {  	s0 =	simm.s32 @!p0 $0x2  }
0x2d: {  	_ =	swait.ge @!p0 [sflag:s0], s1  }
0x2e: {  	s1 =	ssub.s32 @!p0 $0x0, s1;
	[sflag:s0] =	ssyncset.done @!p0 $0x0  }
0x2f: {  	[sflag:s0] =	ssyncadd.s32 @!p0 s1  }
0x30: {  	[bflag:$0x3] =	sbarrier.arrive $0xFFFF  }
0x31: {  	_ =	shalt  }

// kernel: sparse-core-data-format-call.cloned.1.call-start
scs
called_computation_lowered:
.L_overlay_start_0:
0x0: {  	s2 =	sld [smem:$0x3FD9]  }
0x1: {  	s3 =	sld [smem:$0x3FFE];
	_ =	sdelay $0x1  }
0x2: {  	s1 =	srdreg.scid  }
0x3: {  	s0 =	sand.u32 $0x1, s1  }
0x4: {  	s18 =	sshll.u32 s0, $0xA;
	s2 =	sadd.s32 s3, s2  }
0x5: {  	s2 =	sadd.s32 s2, s18  }
0x6: {  	[smem:$0x3FC6] =	sst s2  }
0x7: {  	_ = 	snop  }
0x8: {  	s2 =	sld [smem:$0x3FD0];
	(tm) =	ssettm $0x1  }
0x9: {  	s19 =	sld [smem:$0x3FFB];
	_ =	sdelay $0x3  }
0xa: {  	_ =	strace s19  }
0xb: {  	s3 =	sld [smem:$0x3FFC];
	_ =	sdelay $0x3  }
0xc: {  	_ =	strace s3  }
0xd: {  	s3 =	sld [smem:$0x3FFD];
	_ =	sdelay $0x3  }
0xe: {  	_ =	strace s3  }
0xf: {  	_ =	strace $0x8FFFFFFF  }
0x10: {  	s20 =	sld [smem:$0x3FDB];
	_ =	sdelay $0x1  }
0x11: {  	s4 =	simm.s32 $_scs_section_size  }
0x12: {  	s5 =	simm.s32 $_size__tile_overlayer_lowered;
	s6 =	simm.s32 $_tile_overlayer_lowered  }
0x13: {  	s23 =	simm.s32 $0x1BFF;
	s22 =	sshll.u32 s6, $0x1;
	s3 =	sadd.s32 s4, s20  }
0x14: {  	s7 =	simm.s32 $0x0;
	s21 =	sshll.u32 s5, $0x1;
	s5 =	sadd.s32 s22, s3  }
0x15: {  	[timem:s7], [sflag:s23] =	dma.local [hbm:s5], s21  }
0x16: {  	_ =	swait.ge [sflag:s23], s21  }
0x17: {  	s4 =	ssub.s32 $0x0, s21;
	[sflag:s23] =	ssyncset.done $0x0  }
0x18: {  	[sflag:s23] =	ssyncadd.s32 s4;
	_ =	sdelay $0x1  }
0x19: {  	s24 =	simm.s32 $0x1B8B  }
0x1a: {  	_ =	swait.ge [sflag:s24], $0x1  }
0x1b: {  	[sflag:s24] =	ssyncset.done $0x0  }
0x1c: {  	s26 =	simm.s32 $0x1B8E;
	s25 =	sld [smem:$0x3FFE];
	[sflag:s24] =	ssyncadd.s32 $0xFFFFFFFF  }
0x1d: {  	s27 =	simm.s32 $execute0_lowered;
	[smem:$0x3FD2] =	sst s26  }
0x1e: {  	s5 =	sshll.u32 s27, $0x1;
	_ =	strace $0x80000049;
	[dreg:$0x1] =	wrdreg $0xFFFFFFFF  }
0x1f: {  	s28 =	simm.s32 $_size_execute0_lowered;
	s3 =	sadd.s32 s3, s5;
	[dreg:$0x0] =	wrdreg $0x0  }
0x20: {  	s5 =	sshll.u32 s28, $0x1;
	[dreg:$0x2] =	wrdreg s3  }
0x21: {  	[dreg:$0x3] =	wrdreg s5  }
0x22: {  	[dreg:$0x4] =	wrdreg $0xC0  }
0x23: {  	_ =	task [dreg:s7], $0x5FFFF  }
0x24: {  	[dreg:$0x1] =	wrdreg $0xFFFFFFFF  }
0x25: {  	[dreg:$0x0] =	wrdreg $0x60  }
0x26: {  	[dreg:$0x2] =	wrdreg s25  }
0x27: {  	[dreg:$0x3] =	wrdreg s2  }
0x28: {  	[dreg:$0x4] =	wrdreg $0x9  }
0x29: {  	_ =	task.clear_ibuf [dreg:s7], $0x5FFFF;
	_ =	strace $0x90000049  }
0x2a: {  	s29 =	simm.s32 $0x9;
	_ =	strace $0x8000004B  }
0x2b: {  	_ =	swait.ge [sflag:s29], $0x1  }
0x2c: {  	[sflag:s29] =	ssyncadd.s32 $0xFFFFFFFF  }
0x2d: {  	_ =	strace $0x9000004B  }
0x2e: {  	_ =	sfence  }
0x2f: {  	s30 =	sld [smem:$0x0];
	_ =	sdelay $0x2  }
0x30: {  	s31 =	sshll.u32 s1, $0xD;
	s1 =	sshrl.u32 s1, $0x2  }
0x31: {  	s3 =	sand.u32 $0x4000, s31;
	s1 =	sadd.s32 s1, s30  }
0x32: {  	s0 =	sor.u32 s3, s0;
	s1 =	sshll.u32 s1, $0x11  }
0x33: {  	s0 =	sor.u32 s1, s0  }
0x34: {  	s0 =	sadd.s32 $0x8F2B, s0  }
0x35: {  	[sflag:s0] =	ssyncadd.remote.s32 $0x1  }
0x36: {  	_ =	sfence.sel $0xFFFF  }
0x37: {  	[dreg:$0x0] =	wrdreg $0xFFFFFFFF;
	(pc) =	sbr.abs _section_cstart, $3  }
0x38: {  	[dreg:$0x1] =	wrdreg $0xFFFFFFFF  }
0x39: {  	_ =	task.clear_ibuf [dreg:s7], $0x2FFFF;
	_ =	strace $0x9FFFFFFF  }
0x3a: {  	(tm) =	ssettm $0x7FFFFFFF  }
0x3b: {  	_ =	shalt  }
tec
execute0_lowered:
.L_overlay_start_1:
0x0: {  	(tag) =	ssettag $0x1  }
0x1: {  	s1 =	rddreg [dreg:$0x0]  }
0x2: {  	s2 =	rddreg [dreg:$0x1]  }
0x3: {  	s0 =	rddreg [dreg:$0x2];
	s4 =	srdreg.scid  }
0x4: {  	_ =	strace $0x8000004A;
	s7 =	simm.s32 $0x2;
	s16 =	simm.s32 $0x0  }
0x5: {  	p0 =	por $0x0, $0x0;
	s18 =	simm.s32 $0x0;
	s17 =	simm.s32 $0x0  }
0x6: {  	s19 =	simm.s32 $0x0;
	s8 =	simm.s32 $0x0;
	s10 =	simm.s32 $0x0  }
0x7: {  	s11 =	simm.s32 $0x0;
	s12 =	simm.s32 $0x0;
	s14 =	simm.s32 $0x0  }
.Ltmp0:
0x8: {  	s3 =	sadd.s32 $0x800, s1;
	s4 =	sshll.u32 s4, $0x4;
	(pc) =	sbr.rel .LBB1_1-.Ltmp0, $4  }
0x9: {  	s1 =	stileid.u32;
	s5 =	sand.u32 $0x10, s4;
	s4 =	simm.s32 $0x1  }
0xa: {  	s9 =	simm.s32 $0x0;
	s6 =	sor.u32 s1, s5;
	[sflag:s4] =	ssyncpa.u1 $0x0  }
0xb: {  	s5 =	sand.u32 $0x3, s1;
	s6 =	sshrl.u32 s6, $0x2;
	[sflag:s7] =	ssyncpa.u1 $0x0  }
0xc: {  	s7 =	simm.s32 $0x0;
	s15 =	smov.u32 s5;
	s13 =	smov.u32 s6  }
.LBB1_5:
0xd: {  	p1 =	slt.u32 s9, $0x2;
	s20 =	smov.u32 s19  }
0xe: {  	s22 =	smov.u32 s14;
	s23 =	smov.u32 s15;
	s9 =	sadd.s32 $0x1, s9  }
0xf: {  	p0 =	por !p0, !p0;
	p2 =	sgt.s32 @!p1 s19, $0x3;
	s21 =	sshra.s32 @!p1 s19, $0x1F  }
0x10: {  	p3 =	sgt.s32 @!p1 s16, $0x60;
	p2 =	por !p2, p1;
	s19 =	sand.u32 @!p1 s21, s19  }
0x11: {  	s21 =	sshra.s32 @!p1 s18, $0x1F;
	s20 =	simm.s32 @p2 $0x3;
	p2 =	sgt.s32 @!p1 s18, $0xDF  }
0x12: {  	p3 =	por !p3, p1;
	s19 =	ssub.s32 @!p1 s20, s19;
	p2 =	por !p2, p1  }
0x13: {  	s20 =	smov.u32 s18;
	s18 =	sand.u32 @!p1 s21, s18;
	s21 =	sadd.s32 @!p1 $0xFFFFFFFD, s19  }
0x14: {  	s20 =	simm.s32 @p2 $0xDF;
	s19 =	ssub.s32 @!p1 $0x4, s19;
	p2 =	sgt.s32 @!p1 s21, $0x0  }
0x15: {  	s18 =	ssub.s32 @!p1 s20, s18;
	s21 =	smov.u32 s16;
	p2 =	por !p2, p1  }
0x16: {  	s20 =	sadd.s32 @!p1 $0xFFFFFF21, s18;
	s18 =	ssub.s32 @!p1 $0xE0, s18;
	s21 =	simm.s32 @p3 $0x60  }
0x17: {  	s19 =	simm.s32 @!p2 $0x0;
	p2 =	sgt.s32 @!p1 s20, $0x0;
	s20 =	ssub.s32 @!p1 $0x0, s17  }
0x18: {  	p2 =	por !p2, p1;
	s17 =	smin.u32 @!p1 s17, s20;
	s20 =	sshra.s32 @!p1 s16, $0x1F  }
0x19: {  	s16 =	sand.u32 @!p1 s20, s16;
	p3 =	sgt.s32 @!p1 s17, $0x7F;
	s17 =	ssub.s32 @!p1 $0x80, s17  }
0x1a: {  	s18 =	simm.s32 @!p2 $0x0;
	s16 =	ssub.s32 @!p1 s21, s16;
	p3 =	por !p3, p1  }
0x1b: {  	s21 =	smov.u32 s13;
	s20 =	sadd.s32 @!p1 $0xFFFFFFA0, s16;
	s17 =	simm.s32 @!p3 $0x0  }
0x1c: {  	p2 =	sgt.s32 @!p1 s20, $0x7F;
	s17 =	smul.u32 @!p1 s19, s17;
	s20 =	sadd.s32 $0x80, s12  }
0x1d: {  	s16 =	ssub.s32 @!p1 $0xE0, s16;
	s19 =	sadd.s32 $0x8, s13;
	p3 =	sgt.s32 s20, $0xDF  }
0x1e: {  	p2 =	por !p2, p1;
	s17 =	smul.u32 @!p1 s18, s17;
	s21 =	smov.u32 @p3 s19  }
0x1f: {  	s16 =	simm.s32 @!p2 $0x0;
	s18 =	sadd.s32 $0x80, s14;
	p2 =	sgt.s32 s21, $0xDF  }
0x20: {  	s24 =	simm.s32 @!p1 $0x2;
	s20 =	simm.s32 @p3 $0x0;
	s22 =	smov.u32 @p2 s18  }
0x21: {  	s16 =	smul.u32 @!p1 s16, s17;
	s17 =	sadd.s32 $0x4, s15;
	p3 =	sgt.s32 s22, $0x7F  }
0x22: {  	s19 =	smov.u32 s11;
	s11 =	smov.u32 s15;
	s23 =	smov.u32 @p3 s17  }
0x23: {  	s21 =	smov.u32 @p2 s6;
	s18 =	smov.u32 s8;
	p2 =	sgt.s32 s23, $0x3  }
0x24: {  	s8 =	smov.u32 s13;
	s23 =	smov.u32 @p2 s5;
	p2 =	sne.s32 s9, $0x3A  }
.Ltmp1:
0x25: {  	s13 =	smov.u32 s21;
	s16 =	sand.u32 @!p1 $0x3FFFFFFF, s16;
	(pc) =	sbr.rel @!p2 .LBB1_6-.Ltmp1, $4  }
0x26: {  	s22 =	simm.s32 @p3 $0x0;
	s17 =	smov.u32 s10;
	s10 =	smov.u32 s14  }
0x27: {  	_ =	swait.ge @!p1 [sflag:s24], s16;
	s25 =	ssub.s32 @!p1 $0x0, s16;
	s16 =	smov.u32 s7  }
0x28: {  	s7 =	smov.u32 s12;
	s12 =	smov.u32 s20;
	[sflag:s24] =	ssyncset.done @!p1 $0x0  }
0x29: {  	s14 =	smov.u32 s22;
	[sflag:s24] =	ssyncadd.s32 @!p1 s25;
	s15 =	smov.u32 s23  }
.LBB1_1:
0x2a: {  	p1 =	sgt.u32 s9, $0x37  }
0x2b: {  	s20 =	sshll.u32 @!p1 s13, $0x8;
	s21 =	sshll.u32 @!p1 s12, $0x3  }
0x2c: {  	s22 =	sshll.u32 @!p1 s13, $0x7;
	s20 =	sand.u32 @!p1 $0xFFFFF800, s20;
	s21 =	sand.u32 @!p1 $0xFFFFFC00, s21  }
0x2d: {  	s20 =	sadd.s32 @!p1 s20, s21;
	s21 =	sand.u32 @!p1 $0x300, s22  }
0x2e: {  	s20 =	sor.u32 @!p1 s21, s20  }
0x2f: {  	s20 =	sshrl.u32 @!p1 s20, $0x8  }
0x30: {  	s21 =	smulhi.u32 @!p1 $0x124924A, s20  }
0x31: {  	s23 =	sxor.u32 @!p1 $0xFFFFFFFF, s9;
	s25 =	smul.u32 @!p1 $0xE0000, s15  }
0x32: {  	s24 =	sand.u32 @!p1 $0x78, s12;
	s22 =	sand.u32 @!p1 $0x80, s22;
	s21 =	smul.u32 @!p1 $0xE0, s21  }
0x33: {  	s23 =	sshll.u32 @!p1 s23, $0xE;
	s22 =	sor.u32 @!p1 s24, s22;
	s24 =	smul.u32 @!p1 $0x1C00, s14  }
0x34: {  	s20 =	ssub.s32 @!p1 s20, s21;
	s21 =	sand.u32 @!p1 $0x4000, s23;
	s23 =	sadd.s32 @!p1 s3, s25  }
0x35: {  	s22 =	sshrl.u32 @!p1 s22, $0x3;
	s23 =	sadd.s32 @!p1 s24, s23;
	s24 =	sand.u32 @!p1 $0x7, s12  }
0x36: {  	s20 =	sshll.u32 @!p1 s20, $0x5;
	s22 =	sadd.s32 @!p1 s22, s23;
	s23 =	sshll.u32 @!p1 s24, $0x12  }
0x37: {  	s20 =	sadd.s32 @!p1 s20, s22;
	s22 =	sor.u32 @!p1 $0x80, s23;
	s23 =	simm.s32 @!p1 $0xE000  }
0x38: {  	[tilespmem:s21], [sflag:$0x1] =	stream.strided.gather @!p1 [hbm4b:s20+s22], $0x4000, s23, s22, $0x38;
	[tilespmem:$0x10100] =	vst v63  }
0x39: {  	p1 =	seq.s32 s9, $0x0  }
0x3a: {  	p2 =	seq.s32 @!p1 s9, $0x39  }
0x3b: {  	p1 =	por p1, p2  }
.Ltmp2:
0x3c: {  	_ = 	snop;
	(pc) =	sbr.rel @p1 .LBB1_5-.Ltmp2, $1  }
0x3d: {  	_ =	sdelay $0x3  }
0x3e: {  	s20 =	simm.s32 $0x1  }
0x3f: {  	_ =	swait.ge [sflag:s4], $0x4000;
	s20 =	simm.s32 @!p0 $0x0  }
0x40: {  	[sflag:s4] =	ssyncset.done $0x0;
	s21 =	sshll.u32 s20, $0xE  }
0x41: {  	[sflag:s4] =	ssyncadd.s32 $0xFFFFC000;
	s21 =	sor.u32 $0x40, s21  }
0x42: {  	s20 =	smul.u32 $0x10200, s20;
	v0 =	vld [tilespmem:s21+$0x30]  }
0x43: {  	v1 =	vld [tilespmem:s21+$0xFFFFFFD0]  }
0x44: {  	s20 =	sshrl.u32 s20, $0x2;
	v5 =	vld [tilespmem:s21+$0xFFFFFFE0]  }
0x45: {  	v6 =	vld [tilespmem:s21+$0xFFFFFFF0];
	s23 =	sor.u32 $0x8000, s20  }
0x46: {  	s31 =	sand.u32 $0x1, s9;
	v4 =	vld [tilespmem:s21+$0x0];
	s22 =	sadd.s32 $0x0, s23  }
0x47: {  	v3 =	vld [tilespmem:s21+$0x10];
	s20 =	smul.u32 $0x10200, s31;
	[tilespmem:s22+$0x3870 ss:$0x81] =	vst.msk $0xffff, v0  }
0x48: {  	v2 =	vld [tilespmem:s21+$0x20];
	[tilespmem:s22+$0x810 ss:$0x81] =	vst.msk $0xffff, v1  }
0x49: {  	s20 =	sshrl.u32 s20, $0x2;
	v1 =	vld [tilespmem:s21+$0xFFFFFFC0];
	[tilespmem:s22+$0x1020 ss:$0x81] =	vst.msk $0xffff, v5;
	s21 =	sadd.s32 $0x80, s21  }
0x4a: {  	s24 =	simm.s32 $0x4;
	s25 =	simm.s32 $0x8;
	s20 =	sor.u32 $0x8000, s20;
	[tilespmem:s22+$0x1830 ss:$0x81] =	vst.msk $0xffff, v6;
	v0 =	vld [tilespmem:s21+$0x30]  }
.LBB1_3:
0x4b: {  	p1 =	sne.s32 s25, $0x1FC;
	v5 =	vld [tilespmem:s21+$0xFFFFFFD0];
	[tilespmem:s22+$0x2040 ss:$0x81] =	vst.msk $0xffff, v4  }
0x4c: {  	v6 =	vld [tilespmem:s21+$0xFFFFFFE0];
	[tilespmem:s22+$0x2850 ss:$0x81] =	vst.msk $0xffff, v3  }
0x4d: {  	s26 =	sshra.s32 s24, $0x2;
	s24 =	smov.u32 s25;
	v7 =	vld [tilespmem:s21+$0xFFFFFFF0];
	[tilespmem:s22+$0x3060 ss:$0x81] =	vst.msk $0xffff, v2  }
.Ltmp3:
0x4e: {  	v4 =	vld [tilespmem:s21+$0x0];
	[tilespmem:s22+$0x0 ss:$0x81] =	vst.msk $0xffff, v1;
	s22 =	sadd.s32 s26, s23;
	(pc) =	sbr.rel @p1 .LBB1_3-.Ltmp3, $4  }
0x4f: {  	v3 =	vld [tilespmem:s21+$0x10];
	[tilespmem:s22+$0x3870 ss:$0x81] =	vst.msk $0xffff, v0  }
0x50: {  	[tilespmem:s22+$0x810 ss:$0x81] =	vst.msk $0xffff, v5;
	v2 =	vld [tilespmem:s21+$0x20]  }
0x51: {  	v1 =	vld [tilespmem:s21+$0xFFFFFFC0];
	[tilespmem:s22+$0x1020 ss:$0x81] =	vst.msk $0xffff, v6;
	s21 =	sadd.s32 $0x80, s21  }
0x52: {  	s25 =	sadd.s32 $0x4, s25;
	v0 =	vld [tilespmem:s21+$0x30];
	[tilespmem:s22+$0x1830 ss:$0x81] =	vst.msk $0xffff, v7  }
0x53: {  	s24 =	sshra.s32 s24, $0x2;
	s25 =	sshll.u32 s7, $0x7  }
0x54: {  	s26 =	sshll.u32 s10, $0x3;
	p1 =	sgt.s32 s11, $0x3;
	s27 =	smov.u32 s11  }
0x55: {  	s28 =	sshra.s32 s11, $0x1F;
	s30 =	sshra.s32 s8, $0x1F;
	s23 =	sadd.s32 s24, s23  }
0x56: {  	s31 =	sand.u32 $0xFFFFFC00, s25;
	s26 =	sand.u32 $0xFFFFFC00, s26;
	s27 =	simm.s32 @!p1 $0x3  }
0x57: {  	s29 =	sand.u32 s28, s11;
	p1 =	sgt.s32 s8, $0xDF;
	s25 =	sand.u32 $0x380, s25  }
0x58: {  	[tilespmem:s22+$0x2040 ss:$0x81] =	vst.msk $0xffff, v4;
	s24 =	sadd.s32 s26, s31;
	s26 =	ssub.s32 s27, s29;
	s27 =	smov.u32 s8  }
0x59: {  	s28 =	sand.u32 s30, s8;
	s30 =	ssub.s32 $0x0, s10;
	[tilespmem:s22+$0x2850 ss:$0x81] =	vst.msk $0xffff, v3;
	s27 =	simm.s32 @!p1 $0xDF  }
0x5a: {  	[tilespmem:s22+$0x3060 ss:$0x81] =	vst.msk $0xffff, v2;
	s24 =	sor.u32 s25, s24;
	s31 =	sadd.s32 $0xFFFFFFFD, s26;
	s26 =	ssub.s32 $0x4, s26  }
0x5b: {  	s25 =	smin.u32 s10, s30;
	[tilespmem:s22+$0x0 ss:$0x81] =	vst.msk $0xffff, v1;
	s22 =	smov.u32 s7;
	s27 =	ssub.s32 s27, s28  }
0x5c: {  	s24 =	sshrl.u32 s24, $0x7;
	p1 =	sgt.s32 s31, $0x0;
	s29 =	sadd.s32 $0xFFFFFF21, s27  }
0x5d: {  	v5 =	vld [tilespmem:s21+$0xFFFFFFD0];
	s31 =	smulhi.u32 $0x2492493, s24;
	s26 =	simm.s32 @p1 $0x0;
	s27 =	ssub.s32 $0xE0, s27  }
0x5e: {  	v58 =	vld [tilespmem:s21+$0xFFFFFFE0];
	p1 =	sgt.s32 s25, $0x7F;
	s25 =	ssub.s32 $0x80, s25;
	p2 =	sgt.s32 s29, $0x0  }
0x5f: {  	v59 =	vld [tilespmem:s21+$0xFFFFFFF0];
	s25 =	simm.s32 @p1 $0x0;
	p1 =	sgt.s32 s7, $0x60;
	s29 =	sshra.s32 s7, $0x1F  }
0x60: {  	v60 =	vld [tilespmem:s21+$0x0];
	s27 =	simm.s32 @p2 $0x0;
	s28 =	sshrl.u32 s31, $0x1;
	s25 =	smul.u32 s26, s25  }
0x61: {  	v61 =	vld [tilespmem:s21+$0x10];
	[tilespmem:s23+$0x3870 ss:$0x81] =	vst.msk $0xffff, v0;
	s22 =	simm.s32 @!p1 $0x60;
	s26 =	sand.u32 s29, s7;
	s31 =	smul.u32 $0xC4000, s11  }
0x62: {  	v62 =	vld [tilespmem:s21+$0x20];
	[tilespmem:s23+$0x810 ss:$0x81] =	vst.msk $0xffff, v5;
	s29 =	sshrl.u32 s10, $0x3;
	s28 =	smul.u32 $0xE0, s28;
	s22 =	ssub.s32 s22, s26  }
0x63: {  	v63 =	vld [tilespmem:s21+$0xFFFFFFC0];
	[tilespmem:s23+$0x1020 ss:$0x81] =	vst.msk $0xffff, v58;
	s25 =	smul.u32 s27, s25;
	s30 =	sadd.s32 $0xFFFFFFA0, s22;
	s22 =	ssub.s32 $0xE0, s22  }
0x64: {  	[tilespmem:s23+$0x1830 ss:$0x81] =	vst.msk $0xffff, v59;
	s21 =	ssub.s32 s24, s28;
	p1 =	sgt.s32 s30, $0x7F;
	s28 =	smul.u32 $0xE00, s8  }
.Ltmp4:
0x65: {  	[tilespmem:s23+$0x2040 ss:$0x81] =	vst.msk $0xffff, v60;
	s26 =	sadd.s32 s2, s31;
	s22 =	simm.s32 @p1 $0x0;
	(pc) =	sbr.rel .LBB1_5-.Ltmp4, $4  }
0x66: {  	[tilespmem:s23+$0x2850 ss:$0x81] =	vst.msk $0xffff, v61;
	s30 =	sand.u32 $0xF, s29;
	s22 =	smul.u32 s22, s25;
	s24 =	sadd.s32 s28, s26  }
0x67: {  	[tilespmem:s23+$0x3060 ss:$0x81] =	vst.msk $0xffff, v62;
	s21 =	sshll.u32 s21, $0x4;
	s24 =	sadd.s32 s30, s24  }
0x68: {  	[tilespmem:s23+$0x0 ss:$0x81] =	vst.msk $0xffff, v63;
	s31 =	sand.u32 $0x7, s10;
	s22 =	sand.u32 $0x3FFFFFFF, s22;
	s21 =	sadd.s32 s21, s24  }
0x69: {  	[hbm4b:s21+s31] =	stream.linear.scatter [tilespmem:s20], [sflag:$0x2], s22, $0x20;
	[tilespmem:$0x10100] =	vst v63  }
.LBB1_6:
0x6a: {  	_ =	sfence.sel $0x180000  }
0x6b: {  	s2 =	simm.s32 $0x1;
	[bflag:$0x0] =	sbarrier.arrive $0xFFFF  }
0x6c: {  	s31 =	simm.s32 $0x2;
	[sflag:s2] =	ssyncpa.u1 $0x1  }
0x6d: {  	[sflag:s31] =	ssyncpa.u1 $0x1  }
0x6e: {  	p0 =	sne.s32 s1, $0x0;
	_ =	strace $0x9000004A  }
0x6f: {  	s0 =	sadd.s32 @!p0 $0x100000, s0;
	[bflag:$0x2] =	sbarrier.arrive $0xFFFF  }
0x70: {  	[sflag:s0] =	ssyncadd.tile.s32 @!p0 $0x1;
	_ =	shalt  }
.Lfunc_end1:
_tile_overlayer_lowered:
.L_overlay_start_2:
0x71: {  	(tag) =	ssettag $0x2  }
0x72: {  	s0 =	rddreg [dreg:$0x0];
	s2 =	stileid.u32  }
0x73: {  	s1 =	rddreg [dreg:$0x1];
	p0 =	sne.s32 s2, $0x0  }
0x74: {  	s3 =	rddreg [dreg:$0x2];
	[bflag:$0x3] =	sbarrier.arrive $0xFFFF;
	s2 =	simm.s32 @!p0 $0x1C01  }
0x75: {  	[timem:s3], [sflag:s2] =	dma.local @!p0 [hbm:s0], s1  }
0x76: {  	s0 =	simm.s32 @!p0 $0x1  }
0x77: {  	_ =	swait.ge @!p0 [sflag:s0], s1  }
0x78: {  	s1 =	ssub.s32 @!p0 $0x0, s1;
	[sflag:s0] =	ssyncset.done @!p0 $0x0  }
0x79: {  	[sflag:s0] =	ssyncadd.s32 @!p0 s1  }
0x7a: {  	[bflag:$0x3] =	sbarrier.arrive $0xFFFF  }
0x7b: {  	_ =	shalt  }

</sc_bundles>
